<compile_context>
chip_gen: v7x
topology: tpu7x:2x2x1
jax: 0.10.2.dev20260603
libtpu: 0.0.44.dev20260713+nightly
codegen_flags: <defaults>
</compile_context>

<pallas_src>
import functools

import jax
import jax.numpy as jnp
from jax import lax
from jax.experimental import pallas as pl
from jax.experimental.pallas import tpu as pltpu, tpu_sc as plsc

DIM = 128
N_CODES = 8192
N_TOK = 64 * 576

TM = 512
TN = 512
N_CHUNKS = N_CODES // TN
GRID = N_TOK // TM

N_TILES = TN // 8


def _tc_body(z_ref, e_ref, idx_ref, loss_ref, e2_ref):

    @pl.when(pl.program_id(0) == 0)
    def _precompute_e2():
        def e2c(c, carry):
            eb = e_ref[c]
            e2_ref[c] = jnp.sum(eb * eb, axis=1, keepdims=True)
            return carry
        lax.fori_loop(0, N_CHUNKS, e2c, 0)

    zb = z_ref[...]
    zf2 = jnp.sum(zb * zb, axis=1, keepdims=True)
    n = jnp.sqrt(zf2)
    zn = zb / jnp.maximum(n, 1e-12)
    zn2 = jnp.sum(zn * zn, axis=1, keepdims=True)
    znt = jnp.transpose(zn * (-2.0))

    iota_t = lax.broadcasted_iota(jnp.int32, (N_TILES, 8, TM), 0).astype(jnp.float32)

    def step(c, carry):
        av, ai = carry
        eb = e_ref[c]
        mm = lax.dot_general(eb, znt, (((1,), (0,)), ((), ())),
                             preferred_element_type=jnp.float32)
        d3 = (mm + e2_ref[c]).reshape(N_TILES, 8, TM)
        cmin = jnp.min(d3, axis=0)
        tloc = jnp.min(jnp.where(d3 == cmin[None], iota_t, 2.0**30), axis=0)
        take = cmin < av
        return (jnp.where(take, cmin, av),
                jnp.where(take, c * jnp.float32(N_TILES) + tloc, ai))

    av0 = jnp.full((8, TM), jnp.inf, jnp.float32)
    ai0 = jnp.zeros((8, TM), jnp.float32)
    av, ai = lax.fori_loop(0, N_CHUNKS, step, (av0, ai0), unroll=2)

    gidx = (ai.astype(jnp.int32) * 8
            + lax.broadcasted_iota(jnp.int32, (8, TM), 0))
    vmin = jnp.min(av, axis=0, keepdims=True)
    imin = jnp.min(jnp.where(av == vmin, gidx, 2**30), axis=0, keepdims=True)
    idx_ref[...] = imin.reshape(1, 1, TM)

    blocksum = (jnp.sum(vmin, axis=1, keepdims=True)
                + jnp.sum(zn2, axis=0, keepdims=True))

    @pl.when(pl.program_id(0) == 0)
    def _init():
        loss_ref[...] = blocksum

    @pl.when(pl.program_id(0) != 0)
    def _acc():
        loss_ref[...] += blocksum


_tc_call = pl.pallas_call(
    _tc_body,
    grid=(GRID,),
    in_specs=[
        pl.BlockSpec((TM, DIM), lambda i: (i, 0)),
        pl.BlockSpec((N_CHUNKS, TN, DIM), lambda i: (0, 0, 0)),
    ],
    out_specs=[
        pl.BlockSpec((1, 1, TM), lambda i: (i, 0, 0)),
        pl.BlockSpec((1, 1), lambda i: (0, 0)),
    ],
    out_shape=[
        jax.ShapeDtypeStruct((GRID, 1, TM), jnp.int32),
        jax.ShapeDtypeStruct((1, 1), jnp.float32),
    ],
    scratch_shapes=[pltpu.VMEM((N_CHUNKS, TN, 1), jnp.float32)],
)


_NUM_SC = 2
_NUM_SUBCORES = 16
_NW = _NUM_SC * _NUM_SUBCORES
_B_PER_W = N_TOK // _NW
_GCHUNK = 128
_N_GCHUNK = _B_PER_W // _GCHUNK


@functools.cache
def _sc_gather_kernel():
    @functools.partial(
        pl.kernel,
        out_type=jax.ShapeDtypeStruct((N_TOK, DIM), jnp.float32),
        mesh=plsc.VectorSubcoreMesh(core_axis_name="c", subcore_axis_name="s"),
        scratch_types=[
            pltpu.VMEM((_GCHUNK,), jnp.int32),
            pltpu.VMEM((_GCHUNK, DIM), jnp.float32),
            pltpu.SemaphoreType.DMA,
        ],
    )
    def _sc_gather(table_hbm, idx_hbm, out_hbm, idx_v, rows_v, sem):
        wid = lax.axis_index("s") * _NUM_SC + lax.axis_index("c")
        base = wid * _B_PER_W

        def chunk(c, carry):
            off = base + c * _GCHUNK
            pltpu.sync_copy(idx_hbm.at[pl.ds(off, _GCHUNK)], idx_v)
            pltpu.async_copy(table_hbm.at[idx_v], rows_v, sem).wait()
            pltpu.sync_copy(rows_v, out_hbm.at[pl.ds(off, _GCHUNK)])
            return carry

        lax.fori_loop(0, _N_GCHUNK, chunk, 0)

    return _sc_gather


def kernel(z, embedding):
    zf = z.reshape(N_TOK, DIM)
    e3 = embedding.reshape(N_CHUNKS, TN, DIM)
    idx2, losssum = _tc_call(zf, e3)
    idx = idx2.reshape(N_TOK)
    z_q = _sc_gather_kernel()(embedding, idx).reshape(z.shape)
    loss = 1.0 * (losssum[0, 0] / (N_TOK * DIM))
    return (z_q, loss, idx)

# --- scband reference (transcript-rebuilt; emitter-appended) ---
"""Pipeline reference for scband-norm-emavector-quantizer-35562329211342 (READ-ONLY COPY).

The authoritative reference and input builder live on the scoring server;
editing this copy changes nothing except your own understanding.
"""

import jax, jax.numpy as jnp
import numpy as np

N_EMBED = 8192
DIM = 128
BETA = 1.0

def l2norm(x):
    n = jnp.sqrt(jnp.sum(x * x, axis=-1, keepdims=True))
    return x / jnp.maximum(n, 1e-12)

def setup_inputs(seed: int = 0):
    key = jax.random.key(seed)
    k1, k2 = jax.random.split(key)
    z = jax.random.normal(k1, (64, 576, DIM), dtype=jnp.float32)
    embedding = l2norm(jax.random.normal(k2, (N_EMBED, DIM), dtype=jnp.float32))
    return {"z": z, "embedding": embedding}

def reference(z, embedding):
    # eval-mode forward (EMA buffer updates only happen in training)
    zn = l2norm(z)
    zf = zn.reshape(-1, DIM)
    d = (jnp.sum(zf * zf, axis=1, keepdims=True)
         + jnp.sum(embedding * embedding, axis=1)
         - 2.0 * (zf @ embedding.T))
    encoding_indices = jnp.argmin(d, axis=1)
    z_q = jnp.take(embedding, encoding_indices, axis=0).reshape(zn.shape)
    loss = BETA * jnp.mean((jax.lax.stop_gradient(z_q) - zn) ** 2)
    # straight-through estimator
    z_q_st = z + jax.lax.stop_gradient(z_q - z)
    return (z_q_st, loss, encoding_indices)

if __name__ == "__main__":
    import jax
    _d = setup_inputs()
    print(jax.jit(kernel)(*tuple(_d.values())))

</pallas_src>

<mosaic_0001>
#map = affine_map<(d0, d1) -> (0, 0)>
#map1 = affine_map<(d0, d1) -> (0)>
module attributes {stable_mosaic.version = 14 : i64} {
  func.func @_sc_gather(%arg0: i32, %arg1: i32, %arg2: memref<8192x128xf32, #tpu.memory_space<hbm>>, %arg3: memref<36864xi32, #tpu.memory_space<hbm>>, %arg4: memref<36864x128xf32, #tpu.memory_space<hbm>>, %arg5: memref<128xi32, #tpu.memory_space<vmem>>, %arg6: memref<128x128xf32, #tpu.memory_space<vmem>>, %arg7: memref<!tpu.dma_semaphore, #tpu.memory_space<semaphore_mem>>) attributes {dimension_semantics = [#tpu.dimension_semantics<core_parallel>, #tpu.dimension_semantics<subcore_parallel>], iteration_bounds = array<i64: 2, 16>, scalar_prefetch = 0 : i64, scratch_operands = 3 : i64, tpu.core_type = #tpu.core_type<sc_vector_subcore>, window_params = [{transform_indices = #map}, {transform_indices = #map1}, {transform_indices = #map}]} {
    %mul3A = arith.constant 2 : i32
    %mul3A_0 = arith.muli %arg1, %mul3A : i32
    %add3A = arith.addi %mul3A_0, %arg0 : i32
    %mul3A_1 = arith.constant 1152 : i32
    %mul3A_2 = arith.muli %add3A, %mul3A_1 : i32
    %scan3A = arith.constant 0 : i32
    %scan3A_3 = arith.constant 0 : i32
    %scan3A_4 = arith.constant 9 : i32
    %scan3A_5 = arith.addi %scan3A_3, %scan3A_4 : i32
    %scan3A_6 = arith.constant 1 : i32
    scf.for %scan3A_8 = %scan3A_3 to %scan3A_5 step %scan3A_6  : i32 {
      %mul3A_9 = arith.constant 128 : i32
      %mul3A_10 = arith.muli %scan3A_8, %mul3A_9 : i32
      %add3A_11 = arith.addi %mul3A_2, %mul3A_10 : i32
      "tpu.region"() ({
        %run_scoped3A = tpu.sem_alloc : memref<!tpu.dma_semaphore, #tpu.memory_space<semaphore_mem>>
        %dma_start3A_16 = tpu.memref_slice %arg3[%add3A_11] : memref<36864xi32, #tpu.memory_space<hbm>> -> memref<128xi32, #tpu.memory_space<hbm>>
        %dma_start3A_17 = tpu.memref_slice %arg3[%add3A_11] : memref<36864xi32, #tpu.memory_space<hbm>> -> memref<128xi32, #tpu.memory_space<hbm>>
        tpu.enqueue_dma source(%dma_start3A_17 : memref<128xi32, #tpu.memory_space<hbm>>) target(%arg5 : memref<128xi32, #tpu.memory_space<vmem>>) target_semaphore(%run_scoped3A : memref<!tpu.dma_semaphore, #tpu.memory_space<semaphore_mem>>)
        %dma_wait3A_18 = tpu.memref_slice %arg3[%add3A_11] : memref<36864xi32, #tpu.memory_space<hbm>> -> memref<128xi32, #tpu.memory_space<hbm>>
        %dma_wait3A_19 = tpu.memref_slice %arg3[%add3A_11] : memref<36864xi32, #tpu.memory_space<hbm>> -> memref<128xi32, #tpu.memory_space<hbm>>
        tpu.wait_dma2 semaphore(%run_scoped3A : memref<!tpu.dma_semaphore, #tpu.memory_space<semaphore_mem>>) src(%dma_wait3A_19 : memref<128xi32, #tpu.memory_space<hbm>>) dst(%arg5 : memref<128xi32, #tpu.memory_space<vmem>>)
        tpu.yield
      }) : () -> ()
      %dma_start3A = arith.constant 0 : i32
      %dma_start3A_12 = arith.constant 0 : i32
      %dma_start3A_13 = tpu.memref_slice %arg2[%dma_start3A, %dma_start3A_12] : memref<8192x128xf32, #tpu.memory_space<hbm>> -> memref<8192x128xf32, #tpu.memory_space<hbm>>
      tpu.enqueue_indirect_dma source(%dma_start3A_13 : memref<8192x128xf32, #tpu.memory_space<hbm>>) target(%arg6 : memref<128x128xf32, #tpu.memory_space<vmem>>) offsets(%arg5 : memref<128xi32, #tpu.memory_space<vmem>>) semaphore(%arg7 : memref<!tpu.dma_semaphore, #tpu.memory_space<semaphore_mem>>)
      %dma_wait3A = arith.constant 0 : i32
      %dma_wait3A_14 = arith.constant 0 : i32
      %dma_wait3A_15 = tpu.memref_slice %arg2[%dma_wait3A, %dma_wait3A_14] : memref<8192x128xf32, #tpu.memory_space<hbm>> -> memref<8192x128xf32, #tpu.memory_space<hbm>>
      tpu.wait_indirect_dma semaphore(%arg7 : memref<!tpu.dma_semaphore, #tpu.memory_space<semaphore_mem>>) src(%dma_wait3A_15 : memref<8192x128xf32, #tpu.memory_space<hbm>>) dst(%arg6 : memref<128x128xf32, #tpu.memory_space<vmem>>)
      "tpu.region"() ({
        %run_scoped3A = tpu.sem_alloc : memref<!tpu.dma_semaphore, #tpu.memory_space<semaphore_mem>>
        %dma_start3A_16 = arith.constant 0 : i32
        %dma_start3A_17 = tpu.memref_slice %arg4[%add3A_11, %dma_start3A_16] : memref<36864x128xf32, #tpu.memory_space<hbm>> -> memref<128x128xf32, #tpu.memory_space<hbm>>
        %dma_start3A_18 = arith.constant 0 : i32
        %dma_start3A_19 = tpu.memref_slice %arg4[%add3A_11, %dma_start3A_18] : memref<36864x128xf32, #tpu.memory_space<hbm>> -> memref<128x128xf32, #tpu.memory_space<hbm>>
        tpu.enqueue_dma source(%arg6 : memref<128x128xf32, #tpu.memory_space<vmem>>) target(%dma_start3A_19 : memref<128x128xf32, #tpu.memory_space<hbm>>) target_semaphore(%run_scoped3A : memref<!tpu.dma_semaphore, #tpu.memory_space<semaphore_mem>>)
        %dma_wait3A_20 = arith.constant 0 : i32
        %dma_wait3A_21 = tpu.memref_slice %arg4[%add3A_11, %dma_wait3A_20] : memref<36864x128xf32, #tpu.memory_space<hbm>> -> memref<128x128xf32, #tpu.memory_space<hbm>>
        %dma_wait3A_22 = arith.constant 0 : i32
        %dma_wait3A_23 = tpu.memref_slice %arg4[%add3A_11, %dma_wait3A_22] : memref<36864x128xf32, #tpu.memory_space<hbm>> -> memref<128x128xf32, #tpu.memory_space<hbm>>
        tpu.wait_dma2 semaphore(%run_scoped3A : memref<!tpu.dma_semaphore, #tpu.memory_space<semaphore_mem>>) src(%arg6 : memref<128x128xf32, #tpu.memory_space<vmem>>) dst(%dma_wait3A_23 : memref<128x128xf32, #tpu.memory_space<hbm>>)
        tpu.yield
      }) : () -> ()
    }
    %scan3A_7 = arith.constant 9 : i32
    return
  }
}

module attributes {stable_mosaic.version = 14 : i64} {
  func.func @_tc_body(%arg0: i32, %arg1: memref<512x128xf32, #tpu.memory_space<vmem>>, %arg2: memref<16x512x128xf32, #tpu.memory_space<vmem>>, %arg3: memref<1x1x512xi32, #tpu.memory_space<vmem>>, %arg4: memref<1x1xf32, #tpu.memory_space<vmem>>, %arg5: memref<16x512x1xf32, #tpu.memory_space<vmem>>) attributes {dimension_semantics = [#tpu.dimension_semantics<arbitrary>], iteration_bounds = array<i64: 72>, scalar_prefetch = 0 : i64, scratch_operands = 1 : i64, tpu.core_type = #tpu.core_type<tc>, window_params = [{transform_indices = @transform_0, window_bounds = array<i64: 512, 128>}, {pipeline_mode = #tpu.pipeline_mode<synchronous>, transform_indices = @transform_1, window_bounds = array<i64: 16, 512, 128>}, {transform_indices = @transform_2, window_bounds = array<i64: 1, 1, 512>}, {pipeline_mode = #tpu.pipeline_mode<synchronous>, transform_indices = @transform_3, window_bounds = array<i64: 1, 1>}]} {
    %eq3A = arith.constant 0 : i32
    %eq3A_0 = arith.cmpi eq, %arg0, %eq3A : i32
    %convert_element_type3A = arith.extui %eq3A_0 : i1 to i32
    %cond3A = arith.constant 0 : i32
    %cond3A_1 = arith.cmpi ne, %convert_element_type3A, %cond3A : i32
    scf.if %cond3A_1 {
      %scan3A_57 = arith.constant 0 : i32
      %scan3A_58 = arith.constant 16 : i32
      %scan3A_59 = arith.addi %scan3A_57, %scan3A_58 : i32
      %scan3A_60 = arith.constant 1 : i32
      scf.for %scan3A_62 = %scan3A_57 to %scan3A_59 step %scan3A_60  : i32 {
        %get3A_63 = arith.index_cast %scan3A_62 : i32 to index
        %get3A_64 = arith.constant 0 : index
        %get3A_65 = arith.constant 0 : index
        %get3A_66 = vector.load %arg2[%get3A_63, %get3A_64, %get3A_65] : memref<16x512x128xf32, #tpu.memory_space<vmem>>, vector<1x512x128xf32>
        %get3A_67 = vector.shape_cast %get3A_66 : vector<1x512x128xf32> to vector<512x128xf32>
        %mul3A_68 = arith.mulf %get3A_67, %get3A_67 : vector<512x128xf32>
        %reduce_sum3A_69 = arith.constant dense<0.000000e+00> : vector<512xf32>
        %reduce_sum3A_70 = vector.multi_reduction <add>, %mul3A_68, %reduce_sum3A_69 [1] : vector<512x128xf32> to vector<512xf32>
        %broadcast_in_dim3A_71 = vector.shape_cast %reduce_sum3A_70 : vector<512xf32> to vector<512x1xf32>
        %swap3A_72 = arith.index_cast %scan3A_62 : i32 to index
        %swap3A_73 = arith.constant 0 : index
        %swap3A_74 = arith.constant 0 : index
        %swap3A_75 = vector.load %arg5[%swap3A_72, %swap3A_73, %swap3A_74] : memref<16x512x1xf32, #tpu.memory_space<vmem>>, vector<1x512x1xf32>
        %swap3A_76 = vector.shape_cast %swap3A_75 : vector<1x512x1xf32> to vector<512x1xf32>
        %swap3A_77 = vector.shape_cast %broadcast_in_dim3A_71 : vector<512x1xf32> to vector<1x512x1xf32>
        tpu.vector_store %arg5[%swap3A_72, %swap3A_73, %swap3A_74], %swap3A_77 {strides = array<i32>} : memref<16x512x1xf32, #tpu.memory_space<vmem>>, vector<1x512x1xf32>,
      }
      %scan3A_61 = arith.constant 16 : i32
    } else {
    }
    %get3A = arith.constant 0 : index
    %get3A_2 = arith.constant 0 : index
    %get3A_3 = vector.load %arg1[%get3A, %get3A_2] : memref<512x128xf32, #tpu.memory_space<vmem>>, vector<512x128xf32>
    %mul3A = arith.mulf %get3A_3, %get3A_3 : vector<512x128xf32>
    %reduce_sum3A = arith.constant dense<0.000000e+00> : vector<512xf32>
    %reduce_sum3A_4 = vector.multi_reduction <add>, %mul3A, %reduce_sum3A [1] : vector<512x128xf32> to vector<512xf32>
    %broadcast_in_dim3A = vector.shape_cast %reduce_sum3A_4 : vector<512xf32> to vector<512x1xf32>
    %sqrt3A = math.sqrt %broadcast_in_dim3A : vector<512x1xf32>
    %max3A = arith.constant 9.99999996E-13 : f32
    %max3A_5 = vector.broadcast %max3A : f32 to vector<512x1xf32>
    %max3A_6 = arith.maximumf %sqrt3A, %max3A_5 : vector<512x1xf32>
    %div3A = vector.broadcast %max3A_6 : vector<512x1xf32> to vector<512x128xf32>
    %div3A_7 = arith.divf %get3A_3, %div3A : vector<512x128xf32>
    %mul3A_8 = arith.mulf %div3A_7, %div3A_7 : vector<512x128xf32>
    %reduce_sum3A_9 = arith.constant dense<0.000000e+00> : vector<512xf32>
    %reduce_sum3A_10 = vector.multi_reduction <add>, %mul3A_8, %reduce_sum3A_9 [1] : vector<512x128xf32> to vector<512xf32>
    %broadcast_in_dim3A_11 = vector.shape_cast %reduce_sum3A_10 : vector<512xf32> to vector<512x1xf32>
    %mul3A_12 = arith.constant -2.000000e+00 : f32
    %mul3A_13 = vector.broadcast %mul3A_12 : f32 to vector<512x128xf32>
    %mul3A_14 = arith.mulf %div3A_7, %mul3A_13 : vector<512x128xf32>
    %transpose3A = tpu.transpose %mul3A_14, [1, 0] : vector<512x128xf32> -> vector<128x512xf32>
    %iota3A = tpu.iota {dimensions = array<i32: 0>} : vector<64x8x512xi32>
    %convert_element_type3A_15 = arith.sitofp %iota3A : vector<64x8x512xi32> to vector<64x8x512xf32>
    %broadcast_in_dim3A_16 = arith.constant 0x7F800000 : f32
    %broadcast_in_dim3A_17 = vector.broadcast %broadcast_in_dim3A_16 : f32 to vector<8x512xf32>
    %broadcast_in_dim3A_18 = arith.constant 0.000000e+00 : f32
    %broadcast_in_dim3A_19 = vector.broadcast %broadcast_in_dim3A_18 : f32 to vector<8x512xf32>
    %scan3A = arith.constant 0 : i32
    %scan3A_20 = arith.constant 16 : i32
    %scan3A_21 = arith.addi %scan3A, %scan3A_20 : i32
    %scan3A_22 = arith.constant 2 : i32
    %scan3A_23:2 = scf.for %scan3A_57 = %scan3A to %scan3A_21 step %scan3A_22 iter_args(%scan3A_58 = %broadcast_in_dim3A_17, %scan3A_59 = %broadcast_in_dim3A_19) -> (vector<8x512xf32>, vector<8x512xf32>)  : i32 {
      %get3A_60 = arith.index_cast %scan3A_57 : i32 to index
      %get3A_61 = arith.constant 0 : index
      %get3A_62 = arith.constant 0 : index
      %get3A_63 = vector.load %arg2[%get3A_60, %get3A_61, %get3A_62] : memref<16x512x128xf32, #tpu.memory_space<vmem>>, vector<1x512x128xf32>
      %get3A_64 = vector.shape_cast %get3A_63 : vector<1x512x128xf32> to vector<512x128xf32>
      %dot_general3A = arith.constant dense<0.000000e+00> : vector<512x512xf32>
      %dot_general3A_65 = tpu.matmul %get3A_64, %transpose3A, %dot_general3A {dimension_numbers = #tpu.dot_dimension_numbers<[1], [0], [0], [1], [0, 0, 1, 1], [], []>, transpose_lhs_hint = false} : vector<512x128xf32>, vector<128x512xf32>, vector<512x512xf32> -> vector<512x512xf32>
      %get3A_66 = arith.index_cast %scan3A_57 : i32 to index
      %get3A_67 = arith.constant 0 : index
      %get3A_68 = arith.constant 0 : index
      %get3A_69 = vector.load %arg5[%get3A_66, %get3A_67, %get3A_68] : memref<16x512x1xf32, #tpu.memory_space<vmem>>, vector<1x512x1xf32>
      %get3A_70 = vector.shape_cast %get3A_69 : vector<1x512x1xf32> to vector<512x1xf32>
      %add3A_71 = vector.broadcast %get3A_70 : vector<512x1xf32> to vector<512x512xf32>
      %add3A_72 = arith.addf %dot_general3A_65, %add3A_71 : vector<512x512xf32>
      %reshape3A_73 = vector.shape_cast %add3A_72 : vector<512x512xf32> to vector<64x8x512xf32>
      %reduce_min3A_74 = arith.constant dense<0x7F800000> : vector<8x512xf32>
      %reduce_min3A_75 = vector.multi_reduction <minimumf>, %reshape3A_73, %reduce_min3A_74 [0] : vector<64x8x512xf32> to vector<8x512xf32>
      %broadcast_in_dim3A_76 = vector.shape_cast %reduce_min3A_75 : vector<8x512xf32> to vector<1x8x512xf32>
      %eq3A_77 = vector.broadcast %broadcast_in_dim3A_76 : vector<1x8x512xf32> to vector<64x8x512xf32>
      %eq3A_78 = arith.cmpf oeq, %reshape3A_73, %eq3A_77 : vector<64x8x512xf32>
      %jit3A_79 = arith.constant 1.07374182E+9 : f32
      %broadcast_in_dim3A_80 = vector.broadcast %jit3A_79 : f32 to vector<64x8x512xf32>
      %select_n3A_81 = arith.select %eq3A_78, %convert_element_type3A_15, %broadcast_in_dim3A_80 : vector<64x8x512xi1>, vector<64x8x512xf32>
      %reduce_min3A_82 = arith.constant dense<0x7F800000> : vector<8x512xf32>
      %reduce_min3A_83 = vector.multi_reduction <minimumf>, %select_n3A_81, %reduce_min3A_82 [0] : vector<64x8x512xf32> to vector<8x512xf32>
      %lt3A = arith.cmpf olt, %reduce_min3A_75, %scan3A_58 : vector<8x512xf32>
      %select_n3A_84 = arith.select %lt3A, %reduce_min3A_75, %scan3A_58 : vector<8x512xi1>, vector<8x512xf32>
      %convert_element_type3A_85 = arith.sitofp %scan3A_57 : i32 to f32
      %mul3A_86 = arith.constant 6.400000e+01 : f32
      %mul3A_87 = arith.mulf %convert_element_type3A_85, %mul3A_86 : f32
      %add3A_88 = vector.broadcast %mul3A_87 : f32 to vector<8x512xf32>
      %add3A_89 = arith.addf %add3A_88, %reduce_min3A_83 : vector<8x512xf32>
      %select_n3A_90 = arith.select %lt3A, %add3A_89, %scan3A_59 : vector<8x512xi1>, vector<8x512xf32>
      %scan3A_91 = arith.constant 1 : i32
      %scan3A_92 = arith.addi %scan3A_57, %scan3A_91 : i32
      %get3A_93 = arith.index_cast %scan3A_92 : i32 to index
      %get3A_94 = arith.constant 0 : index
      %get3A_95 = arith.constant 0 : index
      %get3A_96 = vector.load %arg2[%get3A_93, %get3A_94, %get3A_95] : memref<16x512x128xf32, #tpu.memory_space<vmem>>, vector<1x512x128xf32>
      %get3A_97 = vector.shape_cast %get3A_96 : vector<1x512x128xf32> to vector<512x128xf32>
      %dot_general3A_98 = arith.constant dense<0.000000e+00> : vector<512x512xf32>
      %dot_general3A_99 = tpu.matmul %get3A_97, %transpose3A, %dot_general3A_98 {dimension_numbers = #tpu.dot_dimension_numbers<[1], [0], [0], [1], [0, 0, 1, 1], [], []>, transpose_lhs_hint = false} : vector<512x128xf32>, vector<128x512xf32>, vector<512x512xf32> -> vector<512x512xf32>
      %get3A_100 = arith.index_cast %scan3A_92 : i32 to index
      %get3A_101 = arith.constant 0 : index
      %get3A_102 = arith.constant 0 : index
      %get3A_103 = vector.load %arg5[%get3A_100, %get3A_101, %get3A_102] : memref<16x512x1xf32, #tpu.memory_space<vmem>>, vector<1x512x1xf32>
      %get3A_104 = vector.shape_cast %get3A_103 : vector<1x512x1xf32> to vector<512x1xf32>
      %add3A_105 = vector.broadcast %get3A_104 : vector<512x1xf32> to vector<512x512xf32>
      %add3A_106 = arith.addf %dot_general3A_99, %add3A_105 : vector<512x512xf32>
      %reshape3A_107 = vector.shape_cast %add3A_106 : vector<512x512xf32> to vector<64x8x512xf32>
      %reduce_min3A_108 = arith.constant dense<0x7F800000> : vector<8x512xf32>
      %reduce_min3A_109 = vector.multi_reduction <minimumf>, %reshape3A_107, %reduce_min3A_108 [0] : vector<64x8x512xf32> to vector<8x512xf32>
      %broadcast_in_dim3A_110 = vector.shape_cast %reduce_min3A_109 : vector<8x512xf32> to vector<1x8x512xf32>
      %eq3A_111 = vector.broadcast %broadcast_in_dim3A_110 : vector<1x8x512xf32> to vector<64x8x512xf32>
      %eq3A_112 = arith.cmpf oeq, %reshape3A_107, %eq3A_111 : vector<64x8x512xf32>
      %jit3A_113 = arith.constant 1.07374182E+9 : f32
      %broadcast_in_dim3A_114 = vector.broadcast %jit3A_113 : f32 to vector<64x8x512xf32>
      %select_n3A_115 = arith.select %eq3A_112, %convert_element_type3A_15, %broadcast_in_dim3A_114 : vector<64x8x512xi1>, vector<64x8x512xf32>
      %reduce_min3A_116 = arith.constant dense<0x7F800000> : vector<8x512xf32>
      %reduce_min3A_117 = vector.multi_reduction <minimumf>, %select_n3A_115, %reduce_min3A_116 [0] : vector<64x8x512xf32> to vector<8x512xf32>
      %lt3A_118 = arith.cmpf olt, %reduce_min3A_109, %select_n3A_84 : vector<8x512xf32>
      %select_n3A_119 = arith.select %lt3A_118, %reduce_min3A_109, %select_n3A_84 : vector<8x512xi1>, vector<8x512xf32>
      %convert_element_type3A_120 = arith.sitofp %scan3A_92 : i32 to f32
      %mul3A_121 = arith.constant 6.400000e+01 : f32
      %mul3A_122 = arith.mulf %convert_element_type3A_120, %mul3A_121 : f32
      %add3A_123 = vector.broadcast %mul3A_122 : f32 to vector<8x512xf32>
      %add3A_124 = arith.addf %add3A_123, %reduce_min3A_117 : vector<8x512xf32>
      %select_n3A_125 = arith.select %lt3A_118, %add3A_124, %select_n3A_90 : vector<8x512xi1>, vector<8x512xf32>
      scf.yield %select_n3A_119, %select_n3A_125 : vector<8x512xf32>, vector<8x512xf32>
    }
    %scan3A_24 = arith.constant 16 : i32
    %convert_element_type3A_25 = arith.fptosi %scan3A_23#1 : vector<8x512xf32> to vector<8x512xi32>
    %mul3A_26 = arith.constant 8 : i32
    %mul3A_27 = vector.broadcast %mul3A_26 : i32 to vector<8x512xi32>
    %mul3A_28 = arith.muli %convert_element_type3A_25, %mul3A_27 : vector<8x512xi32>
    %iota3A_29 = tpu.iota {dimensions = array<i32: 0>} : vector<8x512xi32>
    %add3A = arith.addi %mul3A_28, %iota3A_29 : vector<8x512xi32>
    %reduce_min3A = arith.constant dense<0x7F800000> : vector<512xf32>
    %reduce_min3A_30 = vector.multi_reduction <minimumf>, %scan3A_23#0, %reduce_min3A [0] : vector<8x512xf32> to vector<512xf32>
    %broadcast_in_dim3A_31 = vector.shape_cast %reduce_min3A_30 : vector<512xf32> to vector<1x512xf32>
    %eq3A_32 = vector.broadcast %broadcast_in_dim3A_31 : vector<1x512xf32> to vector<8x512xf32>
    %eq3A_33 = arith.cmpf oeq, %scan3A_23#0, %eq3A_32 : vector<8x512xf32>
    %jit3A = arith.constant 1073741824 : i32
    %broadcast_in_dim3A_34 = vector.broadcast %jit3A : i32 to vector<8x512xi32>
    %select_n3A = arith.select %eq3A_33, %add3A, %broadcast_in_dim3A_34 : vector<8x512xi1>, vector<8x512xi32>
    %reduce_min3A_35 = arith.constant dense<2147483647> : vector<512xi32>
    %reduce_min3A_36 = vector.multi_reduction <minsi>, %select_n3A, %reduce_min3A_35 [0] : vector<8x512xi32> to vector<512xi32>
    %broadcast_in_dim3A_37 = vector.shape_cast %reduce_min3A_36 : vector<512xi32> to vector<1x512xi32>
    %reshape3A = vector.shape_cast %broadcast_in_dim3A_37 : vector<1x512xi32> to vector<1x1x512xi32>
    %swap3A = arith.constant 0 : index
    %swap3A_38 = arith.constant 0 : index
    %swap3A_39 = arith.constant 0 : index
    %swap3A_40 = vector.load %arg3[%swap3A, %swap3A_38, %swap3A_39] : memref<1x1x512xi32, #tpu.memory_space<vmem>>, vector<1x1x512xi32>
    tpu.vector_store %arg3[%swap3A, %swap3A_38, %swap3A_39], %reshape3A {strides = array<i32>} : memref<1x1x512xi32, #tpu.memory_space<vmem>>, vector<1x1x512xi32>,
    %reduce_sum3A_41 = arith.constant dense<0.000000e+00> : vector<1xf32>
    %reduce_sum3A_42 = vector.multi_reduction <add>, %broadcast_in_dim3A_31, %reduce_sum3A_41 [1] : vector<1x512xf32> to vector<1xf32>
    %broadcast_in_dim3A_43 = vector.shape_cast %reduce_sum3A_42 : vector<1xf32> to vector<1x1xf32>
    %reduce_sum3A_44 = arith.constant dense<0.000000e+00> : vector<1xf32>
    %reduce_sum3A_45 = vector.multi_reduction <add>, %broadcast_in_dim3A_11, %reduce_sum3A_44 [0] : vector<512x1xf32> to vector<1xf32>
    %broadcast_in_dim3A_46 = vector.shape_cast %reduce_sum3A_45 : vector<1xf32> to vector<1x1xf32>
    %add3A_47 = arith.addf %broadcast_in_dim3A_43, %broadcast_in_dim3A_46 : vector<1x1xf32>
    %eq3A_48 = arith.constant 0 : i32
    %eq3A_49 = arith.cmpi eq, %arg0, %eq3A_48 : i32
    %convert_element_type3A_50 = arith.extui %eq3A_49 : i1 to i32
    %cond3A_51 = arith.constant 0 : i32
    %cond3A_52 = arith.cmpi ne, %convert_element_type3A_50, %cond3A_51 : i32
    scf.if %cond3A_52 {
      %swap3A_57 = arith.constant 0 : index
      %swap3A_58 = arith.constant 0 : index
      %swap3A_59 = vector.load %arg4[%swap3A_57, %swap3A_58] : memref<1x1xf32, #tpu.memory_space<vmem>>, vector<1x1xf32>
      tpu.vector_store %arg4[%swap3A_57, %swap3A_58], %add3A_47 {strides = array<i32>} : memref<1x1xf32, #tpu.memory_space<vmem>>, vector<1x1xf32>,
    } else {
    }
    %ne3A = arith.constant 0 : i32
    %ne3A_53 = arith.cmpi ne, %arg0, %ne3A : i32
    %convert_element_type3A_54 = arith.extui %ne3A_53 : i1 to i32
    %cond3A_55 = arith.constant 0 : i32
    %cond3A_56 = arith.cmpi ne, %convert_element_type3A_54, %cond3A_55 : i32
    scf.if %cond3A_56 {
      %get3A_57 = arith.constant 0 : index
      %get3A_58 = arith.constant 0 : index
      %get3A_59 = vector.load %arg4[%get3A_57, %get3A_58] : memref<1x1xf32, #tpu.memory_space<vmem>>, vector<1x1xf32>
      %add3A_60 = arith.addf %get3A_59, %add3A_47 : vector<1x1xf32>
      %swap3A_61 = arith.constant 0 : index
      %swap3A_62 = arith.constant 0 : index
      %swap3A_63 = vector.load %arg4[%swap3A_61, %swap3A_62] : memref<1x1xf32, #tpu.memory_space<vmem>>, vector<1x1xf32>
      tpu.vector_store %arg4[%swap3A_61, %swap3A_62], %add3A_60 {strides = array<i32>} : memref<1x1xf32, #tpu.memory_space<vmem>>, vector<1x1xf32>,
    } else {
    }
    return
  }
  func.func @transform_0(%arg0: i32) -> (i32, i32) {
    %c0_i32 = arith.constant 0 : i32
    %c0_i32_0 = arith.constant 0 : i32
    return %arg0, %c0_i32 : i32, i32
  }
  func.func @transform_1(%arg0: i32) -> (i32, i32, i32) {
    %c0_i32 = arith.constant 0 : i32
    %c0_i32_0 = arith.constant 0 : i32
    %c0_i32_1 = arith.constant 0 : i32
    %c0_i32_2 = arith.constant 0 : i32
    return %c0_i32, %c0_i32_0, %c0_i32_1 : i32, i32, i32
  }
  func.func @transform_2(%arg0: i32) -> (i32, i32, i32) {
    %c0_i32 = arith.constant 0 : i32
    %c0_i32_0 = arith.constant 0 : i32
    %c0_i32_1 = arith.constant 0 : i32
    return %arg0, %c0_i32, %c0_i32_0 : i32, i32, i32
  }
  func.func @transform_3(%arg0: i32) -> (i32, i32) {
    %c0_i32 = arith.constant 0 : i32
    %c0_i32_0 = arith.constant 0 : i32
    %c0_i32_1 = arith.constant 0 : i32
    return %c0_i32, %c0_i32_0 : i32, i32
  }
}

</mosaic_0001>

<sc_bundles>
// kernel: kernel.4.cloned.1.call-start
scs
__scs_entry_jumppad:
0x0: {  	(pc) =	sbr.rel $0x88, $3  }
0x1: {  	(tag) =	ssettag $0x0;
	lr =	simm.s32 $0x1  }
0x2: {  	[smem:$0x3F9F] =	sst lr;
	_ =	strace $0xD0000000  }
0x3: {  	_ = 	snop  }
0x4: {  	_ = 	snop  }
0x5: {  	_ = 	snop  }
0x6: {  	_ = 	snop  }
0x7: {  	_ = 	snop  }
__scs_overlays_trampoline_lowered:
0x8: {  	[smem:$0x3FAE] =	sst s0  }
0x9: {  	[smem:$0x3FAF] =	sst s1  }
0xa: {  	[smem:$0x3FB0] =	sst s2  }
0xb: {  	[smem:$0x3FB1] =	sst s3  }
0xc: {  	[smem:$0x3FB2] =	sst s4  }
0xd: {  	[smem:$0x3FB3] =	sst s5  }
0xe: {  	[smem:$0x3FB4] =	sst s6  }
0xf: {  	[smem:$0x3FB5] =	sst s7  }
0x10: {  	[smem:$0x3FB6] =	sst s8  }
0x11: {  	[smem:$0x3FB7] =	sst s9;
	s0 =	simm.s32 @!p0 $0x0  }
0x12: {  	s1 =	sld [smem:$0x3F9D];
	s0 =	simm.s32 @p0 $0x1  }
0x13: {  	[smem:$0x3FB8] =	sst s0;
	s0 =	simm.s32 @!p1 $0x0  }
0x14: {  	s2 =	sld [smem:$0x3F9C];
	s0 =	simm.s32 @p1 $0x1  }
0x15: {  	[smem:$0x3FB9] =	sst s0;
	s0 =	simm.s32 @!p2 $0x0  }
0x16: {  	s3 =	sld [smem:$0x3FDB];
	s0 =	simm.s32 @p2 $0x1  }
0x17: {  	s4 =	simm.s32 $0x1BF5;
	[smem:$0x3FBB] =	sst s0  }
0x18: {  	s0 =	sld [smem:$0x3F9E];
	_ =	swait.ge [sflag:s4], $0x0  }
0x19: {  	s7 =	sld [smem:$0x3F9F]  }
0x1a: {  	s8 =	sadd.s32 $0xFFFFE003, lr  }
0x1b: {  	s9 =	sadd.s32 $0xFFFFFEF7, lr;
	s5 =	simm.s32 $0xFFFFFFFF;
	p2 =	slt.u32 s8, $0xFFFFF086  }
0x1c: {  	p1 =	slt.u32 s9, $0xF7A;
	s5 =	simm.s32 @!p2 $0x0  }
0x1d: {  	s5 =	simm.s32 @p1 $0x1;
	p0 =	seq.s32 s7, s2  }
0x1e: {  	s7 =	smul.u32 @!p0 $0xF7A, s2;
	p2 =	seq.s32 @!p0 s5, $0x0  }
0x1f: {  	s9 =	smul.u32 $0xF7A, s1;
	s8 =	simm.s32 @!p0 $0x1BF5;
	p2 =	por !p2, p0  }
0x20: {  	[sflag:s8] =	ssyncset.s32 @!p0 $0xFFFFF086;
	s6 =	sadd.s32 @!p0 s3, s7;
	s7 =	simm.s32 @!p0 $0x108  }
0x21: {  	s3 =	sadd.s32 s3, s9;
	s6 =	sadd.s32 @!p0 $0x88, s6;
	s7 =	simm.s32 @p2 $0x1082  }
0x22: {  	[simem:s7], [sflag:s8] =	dma.local @!p0 [hbm:s6], $0xF7A  }
0x23: {  	s9 =	sor.u32 $0xD0000000, s2;
	s6 =	simm.s32 $0x108;
	_ =	swait.ge @!p0 [sflag:s8], $0x0  }
0x24: {  	s3 =	sadd.s32 $0x88, s3;
	s6 =	simm.s32 @!p1 $0x1082;
	[sflag:s4] =	ssyncset.s32 $0xFFFFF086  }
0x25: {  	[simem:s6], [sflag:s4] =	dma.local [hbm:s3], $0xF7A  }
0x26: {  	[smem:$0x3F9F] =	sst s1;
	(tag) =	ssettag s2;
	_ =	strace s9  }
0x27: {  	s1 =	sld [smem:$0x3FAF]  }
0x28: {  	s2 =	sld [smem:$0x3FB0]  }
0x29: {  	s4 =	sld [smem:$0x3FB2]  }
0x2a: {  	p0 =	seq.s32 s5, $0x0;
	s5 =	sld [smem:$0x3FB3]  }
0x2b: {  	s6 =	sld [smem:$0x3FB4]  }
0x2c: {  	s7 =	sld [smem:$0x3FB5]  }
0x2d: {  	s3 =	simm.s32 $0x108;
	s8 =	sld [smem:$0x3FB6]  }
0x2e: {  	s3 =	simm.s32 @!p0 $0x1082;
	s9 =	sld [smem:$0x3FB7]  }
0x2f: {  	lr =	sadd.s32 s0, s3;
	s0 =	sld [smem:$0x3FAE]  }
0x30: {  	s3 =	sld [smem:$0x3FB1]  }
0x31: {  	[smem:$0x3FBA] =	sst s10  }
0x32: {  	s10 =	sld [smem:$0x3FB8];
	_ =	sdelay $0x3  }
0x33: {  	p0 =	seq.s32 s10, $0x1;
	s10 =	sld [smem:$0x3FBA];
	_ =	sdelay $0x3  }
0x34: {  	[smem:$0x3FBA] =	sst s10  }
0x35: {  	s10 =	sld [smem:$0x3FB9];
	_ =	sdelay $0x3  }
0x36: {  	p1 =	seq.s32 s10, $0x1;
	s10 =	sld [smem:$0x3FBA];
	_ =	sdelay $0x3  }
0x37: {  	[smem:$0x3FBA] =	sst s10  }
0x38: {  	s10 =	sld [smem:$0x3FBB]  }
0x39: {  	_ = 	snop;
	(pc) =	sbr.ind lr, $3  }
0x3a: {  	_ = 	snop  }
0x3b: {  	_ = 	snop  }
0x3c: {  	p2 =	seq.s32 s10, $0x1;
	s10 =	sld [smem:$0x3FBA]  }
0x3d: {  	_ =	shalt  }
0x3e: {  	_ =	shalt  }
0x3f: {  	_ =	shalt  }
0x40: {  	_ =	shalt  }
0x41: {  	_ =	shalt  }
0x42: {  	_ =	shalt  }
0x43: {  	_ =	shalt  }
0x44: {  	_ =	shalt  }
0x45: {  	_ =	shalt  }
0x46: {  	_ =	shalt  }
0x47: {  	_ =	shalt  }
0x48: {  	_ =	shalt  }
0x49: {  	_ =	shalt  }
0x4a: {  	_ =	shalt  }
0x4b: {  	_ =	shalt  }
0x4c: {  	_ =	shalt  }
0x4d: {  	_ =	shalt  }
0x4e: {  	_ =	shalt  }
0x4f: {  	_ =	shalt  }
0x50: {  	_ =	shalt  }
0x51: {  	_ =	shalt  }
0x52: {  	_ =	shalt  }
0x53: {  	_ =	shalt  }
0x54: {  	_ =	shalt  }
0x55: {  	_ =	shalt  }
0x56: {  	_ =	shalt  }
0x57: {  	_ =	shalt  }
0x58: {  	_ =	shalt  }
0x59: {  	_ =	shalt  }
0x5a: {  	_ =	shalt  }
0x5b: {  	_ =	shalt  }
0x5c: {  	_ =	shalt  }
0x5d: {  	_ =	shalt  }
0x5e: {  	_ =	shalt  }
0x5f: {  	_ =	shalt  }
0x60: {  	_ =	shalt  }
0x61: {  	_ =	shalt  }
0x62: {  	_ =	shalt  }
0x63: {  	_ =	shalt  }
0x64: {  	_ =	shalt  }
0x65: {  	_ =	shalt  }
0x66: {  	_ =	shalt  }
0x67: {  	_ =	shalt  }
0x68: {  	_ =	shalt  }
0x69: {  	_ =	shalt  }
0x6a: {  	_ =	shalt  }
0x6b: {  	_ =	shalt  }
0x6c: {  	_ =	shalt  }
0x6d: {  	_ =	shalt  }
0x6e: {  	_ =	shalt  }
0x6f: {  	_ =	shalt  }
0x70: {  	_ =	shalt  }
0x71: {  	_ =	shalt  }
0x72: {  	_ =	shalt  }
0x73: {  	_ =	shalt  }
0x74: {  	_ =	shalt  }
0x75: {  	_ =	shalt  }
0x76: {  	_ =	shalt  }
0x77: {  	_ =	shalt  }
0x78: {  	_ =	shalt  }
0x79: {  	_ =	shalt  }
0x7a: {  	_ =	shalt  }
0x7b: {  	_ =	shalt  }
0x7c: {  	_ =	shalt  }
0x7d: {  	_ =	shalt  }
0x7e: {  	_ =	shalt  }
0x7f: {  	_ =	shalt  }
0x80: {  	_ =	shalt  }
0x81: {  	_ =	shalt  }
0x82: {  	_ =	shalt  }
0x83: {  	_ =	shalt  }
0x84: {  	_ =	shalt  }
0x85: {  	_ =	shalt  }
0x86: {  	_ =	shalt  }
0x87: {  	_ =	shalt  }
.Lfunc_end0:
.L_simem_size_0:
called_computation_lowered:
.L_overlay_start_0:
0x88: {  	s2 =	sld [smem:$0x3FD9]  }
0x89: {  	s3 =	sld [smem:$0x3FFE];
	_ =	sdelay $0x1  }
0x8a: {  	s1 =	srdreg.scid  }
0x8b: {  	s0 =	sand.u32 $0x1, s1  }
0x8c: {  	s15 =	sshll.u32 s0, $0xA;
	s2 =	sadd.s32 s3, s2  }
0x8d: {  	s2 =	sadd.s32 s2, s15  }
0x8e: {  	[smem:$0x3FC6] =	sst s2  }
0x8f: {  	_ = 	snop  }
0x90: {  	s2 =	sld [smem:$0x3FD0];
	_ =	sdelay $0x2  }
0x91: {  	s4 =	simm.s32 $0xA;
	s5 =	simm.s32 $0x10;
	s16 =	sld [smem:$0x3FC8]  }
0x92: {  	[smem:s5], [sflag:s4] =	dma.local [hbm:s2], $0x1  }
0x93: {  	_ =	swait.eq [sflag:s4], $0x1  }
0x94: {  	[sflag:s4] =	ssyncset.done $0x0  }
0x95: {  	s17 =	sld [smem:$0x10];
	[sflag:s4] =	ssyncadd.s32 $0xFFFFFFFF  }
0x96: {  	s18 =	sld [smem:$0x12];
	(tm) =	ssettm $0x1  }
0x97: {  	s19 =	sld [smem:$0x3FFB];
	_ =	sdelay $0x3  }
0x98: {  	_ =	strace s19  }
0x99: {  	s5 =	sld [smem:$0x3FFC];
	_ =	sdelay $0x3  }
0x9a: {  	_ =	strace s5  }
0x9b: {  	s5 =	sld [smem:$0x3FFD];
	_ =	sdelay $0x3  }
0x9c: {  	_ =	strace s5  }
0x9d: {  	_ =	strace $0x8FFFFFFF  }
0x9e: {  	s20 =	sld [smem:$0x3FDB];
	_ =	sdelay $0x1  }
0x9f: {  	s6 =	simm.s32 $_scs_section_size  }
0xa0: {  	s7 =	simm.s32 $_size__tile_overlayer_lowered;
	s8 =	simm.s32 $_tile_overlayer_lowered  }
0xa1: {  	s23 =	simm.s32 $0x1BFF;
	s22 =	sshll.u32 s8, $0x1;
	s5 =	sadd.s32 s6, s20  }
0xa2: {  	s9 =	simm.s32 $0x0;
	s21 =	sshll.u32 s7, $0x1;
	s7 =	sadd.s32 s22, s5  }
0xa3: {  	[timem:s9], [sflag:s23] =	dma.local [hbm:s7], s21  }
0xa4: {  	_ =	swait.ge [sflag:s23], s21  }
0xa5: {  	s6 =	ssub.s32 $0x0, s21;
	[sflag:s23] =	ssyncset.done $0x0  }
0xa6: {  	[sflag:s23] =	ssyncadd.s32 s6;
	_ =	sdelay $0x1  }
0xa7: {  	s24 =	simm.s32 $0x1B8B  }
0xa8: {  	_ =	swait.ge [sflag:s24], $0x1  }
0xa9: {  	[sflag:s24] =	ssyncset.done $0x0  }
0xaa: {  	s25 =	simm.s32 $0x1B8E;
	[sflag:s24] =	ssyncadd.s32 $0xFFFFFFFF  }
0xab: {  	s26 =	simm.s32 $execute0_lowered;
	[smem:$0x3FD2] =	sst s25  }
0xac: {  	s6 =	sshll.u32 s26, $0x1;
	_ =	strace $0x80000046;
	[dreg:$0x1] =	wrdreg $0xFFFFFFFF  }
0xad: {  	s28 =	simm.s32 $_size_execute0_lowered;
	s5 =	sadd.s32 s5, s6;
	[dreg:$0x0] =	wrdreg $0x0  }
0xae: {  	s6 =	sshll.u32 s28, $0x1;
	[dreg:$0x2] =	wrdreg s5  }
0xaf: {  	[dreg:$0x3] =	wrdreg s6  }
0xb0: {  	[dreg:$0x4] =	wrdreg $0xC0  }
0xb1: {  	_ =	task [dreg:s9], $0x5FFFF  }
0xb2: {  	[dreg:$0x1] =	wrdreg $0xFFFFFFFF  }
0xb3: {  	[dreg:$0x0] =	wrdreg $0x60  }
0xb4: {  	[dreg:$0x2] =	wrdreg s16  }
0xb5: {  	[dreg:$0x3] =	wrdreg s18  }
0xb6: {  	[dreg:$0x4] =	wrdreg s17  }
0xb7: {  	[dreg:$0x5] =	wrdreg $0x9  }
0xb8: {  	_ =	task.clear_ibuf [dreg:s9], $0x6FFFF;
	_ =	strace $0x90000046  }
0xb9: {  	s29 =	simm.s32 $0x9;
	_ =	strace $0x80000048  }
0xba: {  	_ =	swait.ge [sflag:s29], $0x1  }
0xbb: {  	[sflag:s29] =	ssyncadd.s32 $0xFFFFFFFF  }
0xbc: {  	_ =	strace $0x90000048  }
0xbd: {  	_ =	sfence  }
0xbe: {  	s30 =	sld [smem:$0x0];
	_ =	sdelay $0x2  }
0xbf: {  	s31 =	sshll.u32 s1, $0xD;
	s1 =	sshrl.u32 s1, $0x2  }
0xc0: {  	s3 =	sand.u32 $0x4000, s31;
	s1 =	sadd.s32 s1, s30  }
0xc1: {  	s0 =	sor.u32 s3, s0;
	s1 =	sshll.u32 s1, $0x11  }
0xc2: {  	s0 =	sor.u32 s1, s0  }
0xc3: {  	s0 =	sadd.s32 $0x8F2B, s0  }
0xc4: {  	[sflag:s0] =	ssyncadd.remote.s32 $0x1  }
0xc5: {  	_ =	sfence.sel $0xFFFF  }
0xc6: {  	[dreg:$0x0] =	wrdreg $0xFFFFFFFF;
	(pc) =	sbr.abs _section_cstart, $3  }
0xc7: {  	[dreg:$0x1] =	wrdreg $0xFFFFFFFF  }
0xc8: {  	_ =	task.clear_ibuf [dreg:s9], $0x2FFFF;
	_ =	strace $0x9FFFFFFF  }
0xc9: {  	(tm) =	ssettm $0x7FFFFFFF  }
tec
execute0_lowered:
.L_overlay_start_1:
0x0: {  	(tag) =	ssettag $0x1  }
0x1: {  	s2 =	rddreg [dreg:$0x0]  }
0x2: {  	s6 =	rddreg [dreg:$0x1]  }
0x3: {  	s0 =	srdreg.scid;
	s1 =	stileid.u32  }
0x4: {  	s5 =	rddreg [dreg:$0x2];
	s8 =	smul.u32 $0x900, s1  }
0x5: {  	s3 =	simm.s32 $0x0;
	s4 =	sand.u32 $0x1, s0;
	s30 =	smul.u32 $0x9000, s1  }
0x6: {  	s0 =	rddreg [dreg:$0x3];
	s7 =	ssub.s32 $0x2, s4;
	s10 =	smul.u32 $0x480, s4  }
0x7: {  	[smem:$0x7FF] =	sst s3;
	s11 =	smul.u32 $0x4800, s4;
	s9 =	sshrl.u32 s7, $0x1  }
0x8: {  	_ =	strace $0x80000047;
	s5 =	sadd.s32 s30, s5;
	s7 =	ssub.s32 s7, s9  }
0x9: {  	s8 =	sadd.s32 s10, s8;
	s5 =	sadd.s32 s11, s5;
	s9 =	simm.s32 $0x1  }
0xa: {  	s10 =	simm.s32 $0x0;
	s4 =	smax.u32 s7, $0x1;
	s31 =	sshrl.u32 s8, $0x3  }
0xb: {  	s7 =	simm.s32 $0x2;
	s8 =	simm.s32 $0x80;
	s6 =	sadd.s32 s31, s6  }
.LBB2_1:
0xc: {  	s11 =	sadd.s32 $0x0, s6  }
0xd: {  	[tilespmem:s3], [sflag:$0x2] =	stream.linear.gather [hbm4b:s11+s3], $0x80, $0x38;
	[tilespmem:$0x4080] =	vst v63  }
0xe: {  	_ =	swait.ge [sflag:s7], $0x80  }
0xf: {  	[sflag:s7] =	ssyncset.done $0x0  }
0x10: {  	[sflag:s7] =	ssyncadd.s32 $0xFFFFFF80  }
0x11: {  	[tilespmem:s8], [sflag:$0x1] =	stream.indirect.gather [hbm4b:s2+s8], $0x80, s3, s8, $0xb8;
	[tilespmem:$0x4080] =	vst v63  }
0x12: {  	_ =	swait.ge [sflag:s9], $0x4000  }
0x13: {  	[sflag:s9] =	ssyncset.done $0x0  }
0x14: {  	[sflag:s9] =	ssyncadd.s32 $0xFFFFC000  }
0x15: {  	[hbm4b:s5+s3] =	stream.linear.scatter [tilespmem:s8], [sflag:$0x2], $0x4000, $0x38;
	[tilespmem:$0x4080] =	vst v63  }
0x16: {  	s12 =	simm.s32 $0x10;
	_ =	swait.ge [sflag:s7], $0x4000  }
0x17: {  	s13 =	simm.s32 $0x20;
	s11 =	sadd.s32 $0x800, s5;
	[sflag:s7] =	ssyncset.done $0x0  }
.LBB2_2:
0x18: {  	s14 =	sadd.s32 s12, s6  }
0x19: {  	[sflag:s7] =	ssyncadd.s32 $0xFFFFC000;
	s12 =	smov.u32 s13;
	s15 =	sadd.s32 $0x10, s13  }
0x1a: {  	[tilespmem:s3], [sflag:$0x2] =	stream.linear.gather [hbm4b:s14+s3], $0x80, $0x38;
	[tilespmem:$0x4080] =	vst v63  }
0x1b: {  	p0 =	sne.s32 s13, $0x80;
	_ =	swait.ge [sflag:s7], $0x80  }
0x1c: {  	[sflag:s7] =	ssyncset.done $0x0  }
0x1d: {  	[sflag:s7] =	ssyncadd.s32 $0xFFFFFF80  }
0x1e: {  	[tilespmem:s8], [sflag:$0x1] =	stream.indirect.gather [hbm4b:s2+s8], $0x80, s3, s8, $0xb8;
	[tilespmem:$0x4080] =	vst v63  }
0x1f: {  	_ =	swait.ge [sflag:s9], $0x4000  }
.Ltmp0:
0x20: {  	[sflag:s9] =	ssyncset.done $0x0;
	(pc) =	sbr.rel @p0 .LBB2_2-.Ltmp0, $4  }
0x21: {  	[sflag:s9] =	ssyncadd.s32 $0xFFFFC000  }
0x22: {  	[hbm4b:s11+s3] =	stream.linear.scatter [tilespmem:s8], [sflag:$0x2], $0x4000, $0x38;
	[tilespmem:$0x4080] =	vst v63  }
0x23: {  	_ =	swait.ge [sflag:s7], $0x4000  }
0x24: {  	s13 =	smov.u32 s15;
	s11 =	sadd.s32 $0x800, s11;
	[sflag:s7] =	ssyncset.done $0x0  }
0x25: {  	s12 =	sadd.s32 s12, s6;
	[sflag:s7] =	ssyncadd.s32 $0xFFFFC000  }
0x26: {  	[tilespmem:s3], [sflag:$0x2] =	stream.linear.gather [hbm4b:s12+s3], $0x80, $0x38;
	[tilespmem:$0x4080] =	vst v63  }
0x27: {  	_ =	swait.ge [sflag:s7], $0x80  }
0x28: {  	[sflag:s7] =	ssyncset.done $0x0  }
0x29: {  	[sflag:s7] =	ssyncadd.s32 $0xFFFFFF80  }
0x2a: {  	[tilespmem:s8], [sflag:$0x1] =	stream.indirect.gather [hbm4b:s2+s8], $0x80, s3, s8, $0xb8;
	[tilespmem:$0x4080] =	vst v63  }
0x2b: {  	s10 =	sadd.s32 $0x1, s10;
	_ =	swait.ge [sflag:s9], $0x4000  }
0x2c: {  	p0 =	sne.s32 s10, s4;
	[sflag:s9] =	ssyncset.done $0x0  }
.Ltmp1:
0x2d: {  	[sflag:s9] =	ssyncadd.s32 $0xFFFFC000;
	(pc) =	sbr.rel @p0 .LBB2_1-.Ltmp1, $4  }
0x2e: {  	[hbm4b:s11+s3] =	stream.linear.scatter [tilespmem:s8], [sflag:$0x2], $0x4000, $0x38;
	[tilespmem:$0x4080] =	vst v63  }
0x2f: {  	_ =	swait.ge [sflag:s7], $0x4000  }
0x30: {  	[sflag:s7] =	ssyncset.done $0x0  }
0x31: {  	[sflag:s7] =	ssyncadd.s32 $0xFFFFC000  }
0x32: {  	_ =	sfence.sel $0x180000  }
0x33: {  	[bflag:$0x0] =	sbarrier.arrive $0xFFFF  }
0x34: {  	p0 =	sne.s32 s1, $0x0;
	_ =	strace $0x90000047  }
0x35: {  	s0 =	sadd.s32 @!p0 $0x100000, s0;
	[bflag:$0x2] =	sbarrier.arrive $0xFFFF  }
0x36: {  	[sflag:s0] =	ssyncadd.tile.s32 @!p0 $0x1;
	_ =	shalt  }
.Lfunc_end2:
_tile_overlayer_lowered:
.L_overlay_start_2:
0x37: {  	(tag) =	ssettag $0x2  }
0x38: {  	s0 =	rddreg [dreg:$0x0];
	s2 =	stileid.u32  }
0x39: {  	s1 =	rddreg [dreg:$0x1];
	p0 =	sne.s32 s2, $0x0  }
0x3a: {  	s3 =	rddreg [dreg:$0x2];
	[bflag:$0x3] =	sbarrier.arrive $0xFFFF;
	s2 =	simm.s32 @!p0 $0x1C02  }
0x3b: {  	[timem:s3], [sflag:s2] =	dma.local @!p0 [hbm:s0], s1  }
0x3c: {  	s0 =	simm.s32 @!p0 $0x2  }
0x3d: {  	_ =	swait.ge @!p0 [sflag:s0], s1  }
0x3e: {  	s1 =	ssub.s32 @!p0 $0x0, s1;
	[sflag:s0] =	ssyncset.done @!p0 $0x0  }
0x3f: {  	[sflag:s0] =	ssyncadd.s32 @!p0 s1  }
0x40: {  	[bflag:$0x3] =	sbarrier.arrive $0xFFFF  }
0x41: {  	_ =	shalt  }

</sc_bundles>
